<compile_context>
chip_gen: v7x
topology: tpu7x:2x2x1
jax: 0.10.2.dev20260603
libtpu: 0.0.44.dev20260713+nightly
codegen_flags: <defaults>
</compile_context>

<pallas_src>
import functools
import math

import jax
import jax.numpy as jnp
from jax import lax
from jax.experimental import pallas as pl
from jax.experimental.pallas import tpu as pltpu
from jax.experimental.pallas import tpu_sc as plsc

KEEP = 0.5
_I32_MIN = -(2 ** 31)


def _order_key(x):
    b = lax.bitcast_convert_type(x, jnp.int32)
    return jnp.where(b >= 0, b, jnp.bitwise_xor(jnp.invert(b), jnp.int32(_I32_MIN)))


def _scores_kernel(h_ref, w_ref, b_ref, sc_ref, sw_ref):
    bt = h_ref.shape[1]
    h = h_ref[0].astype(jnp.bfloat16)
    s_mat = lax.dot_general(h, w_ref[...], (((1,), (0,)), ((), ())),
                            preferred_element_type=jnp.float32)
    s = s_mat[:, 0:1] + b_ref[0, 0]
    sc_ref[0] = s
    sw_ref[0] = s.reshape(bt // 128, 128)


def _sc_threshold_kernel(k, T, nb, s_hbm, out_hbm, row_v, keys_v, stage_v, sem):
    wid = lax.axis_index("s") * 2 + lax.axis_index("c")
    nvec = T // 16

    @pl.when(wid < nb)
    def _():
        pltpu.sync_copy(s_hbm.at[wid], row_v)

        def key_body(j, carry):
            x = row_v[pl.ds(j * 16, 16)]
            keys_v[pl.ds(j * 16, 16)] = _order_key(x)
            return carry

        lax.fori_loop(0, nvec, key_body, jnp.int32(0))

        def bit_body(it, prefix_u):
            jbit = 31 - it
            cand_u = jnp.bitwise_or(prefix_u, jnp.left_shift(jnp.int32(1), jbit))
            cand_i = jnp.bitwise_xor(cand_u, jnp.int32(_I32_MIN))

            def cnt_body(j, acc):
                keys = keys_v[pl.ds(j * 16, 16)]
                return acc + jnp.where(keys >= cand_i, jnp.int32(1), jnp.int32(0))

            acc = lax.fori_loop(0, nvec, cnt_body,
                                jnp.zeros((16,), jnp.int32))
            cnt = jnp.sum(acc)
            return jnp.where(cnt >= k, cand_u, prefix_u)

        prefix_u = lax.fori_loop(0, 32, bit_body, jnp.int32(0))
        thr = jnp.bitwise_xor(prefix_u, jnp.int32(_I32_MIN))
        stage_v[...] = jnp.broadcast_to(thr, (16,))
        pltpu.sync_copy(stage_v, out_hbm.at[wid])


def _prune_kernel(h_ref, sc_ref, thr_ref, p_ref, m_ref):
    i = pl.program_id(0)
    thr = thr_ref[i, 0]
    keep = _order_key(sc_ref[0]) >= thr
    m_ref[0] = keep
    p_ref[0] = h_ref[0] * keep.astype(jnp.float32)


def kernel(hidden_states, W, b):
    B, T, D = hidden_states.shape
    k = min(max(1, math.ceil(KEEP * T)), T)
    BT = 1024
    nt = T // BT
    TW = T // 128

    scores_col, scores_w = pl.pallas_call(
        _scores_kernel,
        grid=(B, nt),
        in_specs=[
            pl.BlockSpec((1, BT, D), lambda i, j: (i, j, 0)),
            pl.BlockSpec((D, 128), lambda i, j: (0, 0)),
            pl.BlockSpec((1, 1), lambda i, j: (0, 0)),
        ],
        out_specs=[
            pl.BlockSpec((1, BT, 1), lambda i, j: (i, j, 0)),
            pl.BlockSpec((1, BT // 128, 128), lambda i, j: (i, j, 0)),
        ],
        out_shape=[
            jax.ShapeDtypeStruct((B, T, 1), jnp.float32),
            jax.ShapeDtypeStruct((B, TW, 128), jnp.float32),
        ],
    )(hidden_states,
      jnp.broadcast_to(W.reshape(D, 1).astype(jnp.bfloat16), (D, 128)),
      b.reshape(1, 1))

    mesh = plsc.VectorSubcoreMesh(core_axis_name="c", subcore_axis_name="s")
    sc_thr = functools.partial(
        pl.kernel,
        mesh=mesh,
        out_type=jax.ShapeDtypeStruct((B, 16), jnp.int32),
        compiler_params=pltpu.CompilerParams(needs_layout_passes=False),
        scratch_types=[
            pltpu.VMEM((T,), jnp.float32),
            pltpu.VMEM((T,), jnp.int32),
            pltpu.VMEM((16,), jnp.int32),
            pltpu.SemaphoreType.DMA,
        ],
    )(functools.partial(_sc_threshold_kernel, k, T, B))
    thr_keys = sc_thr(scores_w.reshape(B, T))

    pruned, mask_col = pl.pallas_call(
        _prune_kernel,
        grid=(B, nt),
        in_specs=[
            pl.BlockSpec((1, BT, D), lambda i, j: (i, j, 0)),
            pl.BlockSpec((1, BT, 1), lambda i, j: (i, j, 0)),
            pl.BlockSpec(memory_space=pltpu.SMEM),
        ],
        out_specs=[
            pl.BlockSpec((1, BT, D), lambda i, j: (i, j, 0)),
            pl.BlockSpec((1, BT, 1), lambda i, j: (i, j, 0)),
        ],
        out_shape=[
            jax.ShapeDtypeStruct((B, T, D), jnp.float32),
            jax.ShapeDtypeStruct((B, T, 1), jnp.bool_),
        ],
    )(hidden_states, scores_col, thr_keys)

    return (pruned, mask_col.reshape(B, T), scores_w.reshape(B, T))

# --- scband reference (transcript-rebuilt; emitter-appended) ---
"""Pipeline reference for scband-adaptive-token-pruner-57526791962772 (READ-ONLY COPY).

The authoritative reference and input builder live on the scoring server;
editing this copy changes nothing except your own understanding.
"""

import math
import jax, jax.numpy as jnp
import numpy as np

KEEP_RATIO = 0.5
MIN_TOKENS = 1
PROTECT_POSITIONS = []

def setup_inputs(seed: int = 0) -> dict:
    key = jax.random.key(seed)
    k1, k2, k3 = jax.random.split(key, 3)
    hidden_states = jax.random.normal(k1, (4, 8192, 768), dtype=jnp.float32)
    # nn.Linear(d_model, 1): weight [1, d_model], bias [1]
    W = jax.random.normal(k2, (1, 768), dtype=jnp.float32) * (1.0 / math.sqrt(768))
    b = jax.random.uniform(k3, (1,), dtype=jnp.float32, minval=-1.0/math.sqrt(768), maxval=1.0/math.sqrt(768))
    return {"hidden_states": hidden_states, "W": W, "b": b}

def _select_important_tokens(scores):
    B, T = scores.shape
    k = max(MIN_TOKENS, math.ceil(KEEP_RATIO * T))
    k = min(k, T)
    mask = jnp.zeros((B, T), dtype=bool)
    for pos in PROTECT_POSITIONS:
        if 0 <= pos < T:
            mask = mask.at[:, pos].set(True)
    _, topk_indices = jax.lax.top_k(scores, k)
    mask = mask.at[jnp.arange(B)[:, None], topk_indices].set(True)
    return mask

def reference(hidden_states, W, b):
    # scores = Linear(hidden_states).squeeze(-1)
    scores = jnp.einsum('btd,od->bto', hidden_states, W)[..., 0] + b[0]
    keep_mask = _select_important_tokens(scores)
    pruned_hidden = hidden_states * keep_mask[..., None].astype(hidden_states.dtype)
    return (pruned_hidden, keep_mask, scores)

if __name__ == "__main__":
    import jax
    _d = setup_inputs()
    print(jax.jit(kernel)(*tuple(_d.values())))

</pallas_src>

<mosaic_0001>
#map = affine_map<(d0, d1) -> (0, 0)>
module attributes {stable_mosaic.version = 14 : i64} {
  func.func @_sc_threshold_kernel(%arg0: i32, %arg1: i32, %arg2: memref<4x8192xf32, #tpu.memory_space<hbm>>, %arg3: memref<4x16xi32, #tpu.memory_space<hbm>>, %arg4: memref<8192xf32, #tpu.memory_space<vmem>>, %arg5: memref<8192xi32, #tpu.memory_space<vmem>>, %arg6: memref<16xi32, #tpu.memory_space<vmem>>, %arg7: memref<!tpu.dma_semaphore, #tpu.memory_space<semaphore_mem>>) attributes {dimension_semantics = [#tpu.dimension_semantics<core_parallel>, #tpu.dimension_semantics<subcore_parallel>], iteration_bounds = array<i64: 2, 16>, scalar_prefetch = 0 : i64, scratch_operands = 4 : i64, tpu.core_type = #tpu.core_type<sc_vector_subcore>, window_params = [{transform_indices = #map}, {transform_indices = #map}]} {
    %mul3A = arith.constant 2 : i32
    %mul3A_0 = arith.muli %arg1, %mul3A : i32
    %add3A = arith.addi %mul3A_0, %arg0 : i32
    %lt3A = arith.constant 4 : i32
    %lt3A_1 = arith.cmpi slt, %add3A, %lt3A : i32
    %convert_element_type3A = arith.extui %lt3A_1 : i1 to i32
    %cond3A = arith.constant 0 : i32
    %cond3A_2 = arith.cmpi ne, %convert_element_type3A, %cond3A : i32
    scf.if %cond3A_2 {
      "tpu.region"() ({
        %run_scoped3A = tpu.sem_alloc : memref<!tpu.dma_semaphore, #tpu.memory_space<semaphore_mem>>
        %dma_start3A = arith.constant 0 : i32
        %dma_start3A_17 = tpu.memref_slice %arg2[%add3A, %dma_start3A] : memref<4x8192xf32, #tpu.memory_space<hbm>> -> memref<1x8192xf32, #tpu.memory_space<hbm>>
        %dma_start3A_18 = tpu.memref_squeeze %dma_start3A_17 : memref<1x8192xf32, #tpu.memory_space<hbm>> -> memref<8192xf32, #tpu.memory_space<hbm>>
        %dma_start3A_19 = arith.constant 0 : i32
        %dma_start3A_20 = tpu.memref_slice %arg2[%add3A, %dma_start3A_19] : memref<4x8192xf32, #tpu.memory_space<hbm>> -> memref<1x8192xf32, #tpu.memory_space<hbm>>
        %dma_start3A_21 = tpu.memref_squeeze %dma_start3A_20 : memref<1x8192xf32, #tpu.memory_space<hbm>> -> memref<8192xf32, #tpu.memory_space<hbm>>
        tpu.enqueue_dma source(%dma_start3A_21 : memref<8192xf32, #tpu.memory_space<hbm>>) target(%arg4 : memref<8192xf32, #tpu.memory_space<vmem>>) target_semaphore(%run_scoped3A : memref<!tpu.dma_semaphore, #tpu.memory_space<semaphore_mem>>)
        %dma_wait3A = arith.constant 0 : i32
        %dma_wait3A_22 = tpu.memref_slice %arg2[%add3A, %dma_wait3A] : memref<4x8192xf32, #tpu.memory_space<hbm>> -> memref<1x8192xf32, #tpu.memory_space<hbm>>
        %dma_wait3A_23 = tpu.memref_squeeze %dma_wait3A_22 : memref<1x8192xf32, #tpu.memory_space<hbm>> -> memref<8192xf32, #tpu.memory_space<hbm>>
        %dma_wait3A_24 = arith.constant 0 : i32
        %dma_wait3A_25 = tpu.memref_slice %arg2[%add3A, %dma_wait3A_24] : memref<4x8192xf32, #tpu.memory_space<hbm>> -> memref<1x8192xf32, #tpu.memory_space<hbm>>
        %dma_wait3A_26 = tpu.memref_squeeze %dma_wait3A_25 : memref<1x8192xf32, #tpu.memory_space<hbm>> -> memref<8192xf32, #tpu.memory_space<hbm>>
        tpu.wait_dma2 semaphore(%run_scoped3A : memref<!tpu.dma_semaphore, #tpu.memory_space<semaphore_mem>>) src(%dma_wait3A_26 : memref<8192xf32, #tpu.memory_space<hbm>>) dst(%arg4 : memref<8192xf32, #tpu.memory_space<vmem>>)
        tpu.yield
      }) : () -> ()
      %scan3A = arith.constant 0 : i32
      %scan3A_3 = arith.constant 0 : i32
      %scan3A_4 = arith.constant 512 : i32
      %scan3A_5 = arith.addi %scan3A_3, %scan3A_4 : i32
      %scan3A_6 = arith.constant 1 : i32
      scf.for %scan3A_17 = %scan3A_3 to %scan3A_5 step %scan3A_6  : i32 {
        %mul3A_18 = arith.constant 16 : i32
        %mul3A_19 = arith.muli %scan3A_17, %mul3A_18 : i32
        %get3A = arith.index_cast %mul3A_19 : i32 to index
        %get3A_20 = tpu.vector_load %arg4[%get3A] {strides = array<i32>} : memref<8192xf32, #tpu.memory_space<vmem>>, vector<16xf32>,
        %bitcast_convert_type3A = tpu.bitcast %get3A_20 : vector<16xf32> -> vector<16xi32>
        %ge3A = arith.constant 0 : i32
        %ge3A_21 = vector.broadcast %ge3A : i32 to vector<16xi32>
        %ge3A_22 = arith.cmpi sge, %bitcast_convert_type3A, %ge3A_21 : vector<16xi32>
        %not3A = arith.constant dense<-1> : vector<16xi32>
        %not3A_23 = arith.xori %bitcast_convert_type3A, %not3A : vector<16xi32>
        %xor3A_24 = arith.constant -2147483648 : i32
        %xor3A_25 = vector.broadcast %xor3A_24 : i32 to vector<16xi32>
        %xor3A_26 = arith.xori %not3A_23, %xor3A_25 : vector<16xi32>
        %select_n3A = arith.select %ge3A_22, %bitcast_convert_type3A, %xor3A_26 : vector<16xi1>, vector<16xi32>
        %mul3A_27 = arith.constant 16 : i32
        %mul3A_28 = arith.muli %scan3A_17, %mul3A_27 : i32
        %swap3A_29 = arith.index_cast %mul3A_28 : i32 to index
        %swap3A_30 = tpu.vector_load %arg5[%swap3A_29] {strides = array<i32>} : memref<8192xi32, #tpu.memory_space<vmem>>, vector<16xi32>,
        tpu.vector_store %arg5[%swap3A_29], %select_n3A {strides = array<i32>} : memref<8192xi32, #tpu.memory_space<vmem>>, vector<16xi32>,
      }
      %scan3A_7 = arith.constant 512 : i32
      %scan3A_8 = arith.constant 0 : i32
      %scan3A_9 = arith.constant 0 : i32
      %scan3A_10 = arith.constant 32 : i32
      %scan3A_11 = arith.addi %scan3A_9, %scan3A_10 : i32
      %scan3A_12 = arith.constant 1 : i32
      %scan3A_13 = scf.for %scan3A_17 = %scan3A_9 to %scan3A_11 step %scan3A_12 iter_args(%scan3A_18 = %scan3A_8) -> (i32)  : i32 {
        %sub3A = arith.constant 31 : i32
        %sub3A_19 = arith.subi %sub3A, %scan3A_17 : i32
        %shift_left3A = arith.constant 1 : i32
        %shift_left3A_20 = arith.shli %shift_left3A, %sub3A_19 : i32
        %or3A = arith.ori %scan3A_18, %shift_left3A_20 : i32
        %xor3A_21 = arith.constant -2147483648 : i32
        %xor3A_22 = arith.xori %or3A, %xor3A_21 : i32
        %broadcast_in_dim3A_23 = arith.constant 0 : i32
        %broadcast_in_dim3A_24 = vector.broadcast %broadcast_in_dim3A_23 : i32 to vector<16xi32>
        %scan3A_25 = arith.constant 0 : i32
        %scan3A_26 = arith.constant 512 : i32
        %scan3A_27 = arith.addi %scan3A_25, %scan3A_26 : i32
        %scan3A_28 = arith.constant 1 : i32
        %scan3A_29 = scf.for %scan3A_35 = %scan3A_25 to %scan3A_27 step %scan3A_28 iter_args(%scan3A_36 = %broadcast_in_dim3A_24) -> (vector<16xi32>)  : i32 {
          %mul3A_37 = arith.constant 16 : i32
          %mul3A_38 = arith.muli %scan3A_35, %mul3A_37 : i32
          %get3A = arith.index_cast %mul3A_38 : i32 to index
          %get3A_39 = tpu.vector_load %arg5[%get3A] {strides = array<i32>} : memref<8192xi32, #tpu.memory_space<vmem>>, vector<16xi32>,
          %ge3A_40 = vector.broadcast %xor3A_22 : i32 to vector<16xi32>
          %ge3A_41 = arith.cmpi sge, %get3A_39, %ge3A_40 : vector<16xi32>
          %jit3A = arith.constant 1 : i32
          %jit3A_42 = arith.constant 0 : i32
          %broadcast_in_dim3A_43 = vector.broadcast %jit3A : i32 to vector<16xi32>
          %broadcast_in_dim3A_44 = vector.broadcast %jit3A_42 : i32 to vector<16xi32>
          %select_n3A_45 = arith.select %ge3A_41, %broadcast_in_dim3A_43, %broadcast_in_dim3A_44 : vector<16xi1>, vector<16xi32>
          %add3A_46 = arith.addi %scan3A_36, %select_n3A_45 : vector<16xi32>
          scf.yield %add3A_46 : vector<16xi32>
        }
        %scan3A_30 = arith.constant 512 : i32
        %reduce_sum3A = arith.constant true
        %reduce_sum3A_31 = vector.broadcast %reduce_sum3A : i1 to vector<16xi1>
        %reduce_sum3A_32 = tpu.scan <sum>, %scan3A_29 masked %reduce_sum3A_31 : vector<16xi32>, vector<16xi1> -> vector<16xi32>
        %reduce_sum3A_33 = vector.extract %reduce_sum3A_32[15] : i32 from vector<16xi32>
        %ge3A = arith.constant 4096 : i32
        %ge3A_34 = arith.cmpi sge, %reduce_sum3A_33, %ge3A : i32
        %select_n3A = arith.select %ge3A_34, %or3A, %scan3A_18 : i32
        scf.yield %select_n3A : i32
      }
      %scan3A_14 = arith.constant 32 : i32
      %xor3A = arith.constant -2147483648 : i32
      %xor3A_15 = arith.xori %scan3A_13, %xor3A : i32
      %broadcast_in_dim3A = vector.broadcast %xor3A_15 : i32 to vector<16xi32>
      %swap3A = arith.constant 0 : index
      %swap3A_16 = tpu.vector_load %arg6[%swap3A] {strides = array<i32>} : memref<16xi32, #tpu.memory_space<vmem>>, vector<16xi32>,
      tpu.vector_store %arg6[%swap3A], %broadcast_in_dim3A {strides = array<i32>} : memref<16xi32, #tpu.memory_space<vmem>>, vector<16xi32>,
      "tpu.region"() ({
        %run_scoped3A = tpu.sem_alloc : memref<!tpu.dma_semaphore, #tpu.memory_space<semaphore_mem>>
        %dma_start3A = arith.constant 0 : i32
        %dma_start3A_17 = tpu.memref_slice %arg3[%add3A, %dma_start3A] : memref<4x16xi32, #tpu.memory_space<hbm>> -> memref<1x16xi32, #tpu.memory_space<hbm>>
        %dma_start3A_18 = tpu.memref_squeeze %dma_start3A_17 : memref<1x16xi32, #tpu.memory_space<hbm>> -> memref<16xi32, #tpu.memory_space<hbm>>
        %dma_start3A_19 = arith.constant 0 : i32
        %dma_start3A_20 = tpu.memref_slice %arg3[%add3A, %dma_start3A_19] : memref<4x16xi32, #tpu.memory_space<hbm>> -> memref<1x16xi32, #tpu.memory_space<hbm>>
        %dma_start3A_21 = tpu.memref_squeeze %dma_start3A_20 : memref<1x16xi32, #tpu.memory_space<hbm>> -> memref<16xi32, #tpu.memory_space<hbm>>
        tpu.enqueue_dma source(%arg6 : memref<16xi32, #tpu.memory_space<vmem>>) target(%dma_start3A_21 : memref<16xi32, #tpu.memory_space<hbm>>) target_semaphore(%run_scoped3A : memref<!tpu.dma_semaphore, #tpu.memory_space<semaphore_mem>>)
        %dma_wait3A = arith.constant 0 : i32
        %dma_wait3A_22 = tpu.memref_slice %arg3[%add3A, %dma_wait3A] : memref<4x16xi32, #tpu.memory_space<hbm>> -> memref<1x16xi32, #tpu.memory_space<hbm>>
        %dma_wait3A_23 = tpu.memref_squeeze %dma_wait3A_22 : memref<1x16xi32, #tpu.memory_space<hbm>> -> memref<16xi32, #tpu.memory_space<hbm>>
        %dma_wait3A_24 = arith.constant 0 : i32
        %dma_wait3A_25 = tpu.memref_slice %arg3[%add3A, %dma_wait3A_24] : memref<4x16xi32, #tpu.memory_space<hbm>> -> memref<1x16xi32, #tpu.memory_space<hbm>>
        %dma_wait3A_26 = tpu.memref_squeeze %dma_wait3A_25 : memref<1x16xi32, #tpu.memory_space<hbm>> -> memref<16xi32, #tpu.memory_space<hbm>>
        tpu.wait_dma2 semaphore(%run_scoped3A : memref<!tpu.dma_semaphore, #tpu.memory_space<semaphore_mem>>) src(%arg6 : memref<16xi32, #tpu.memory_space<vmem>>) dst(%dma_wait3A_26 : memref<16xi32, #tpu.memory_space<hbm>>)
        tpu.yield
      }) : () -> ()
    } else {
    }
    return
  }
}

module attributes {stable_mosaic.version = 14 : i64} {
  func.func @_prune_kernel(%arg0: i32, %arg1: i32, %arg2: memref<1x1024x768xf32, #tpu.memory_space<vmem>>, %arg3: memref<1x1024x1xf32, #tpu.memory_space<vmem>>, %arg4: memref<4x16xi32, #tpu.memory_space<smem>>, %arg5: memref<1x1024x768xf32, #tpu.memory_space<vmem>>, %arg6: memref<1x1024x1xi32, #tpu.memory_space<vmem>>) attributes {dimension_semantics = [#tpu.dimension_semantics<arbitrary>, #tpu.dimension_semantics<arbitrary>], iteration_bounds = array<i64: 4, 8>, scalar_prefetch = 0 : i64, scratch_operands = 0 : i64, tpu.core_type = #tpu.core_type<tc>, window_params = [{transform_indices = @transform_0, window_bounds = array<i64: 1, 1024, 768>}, {transform_indices = @transform_1, window_bounds = array<i64: 1, 1024, 1>}, {transform_indices = @transform_2, window_bounds = array<i64: 4, 16>}, {transform_indices = @transform_3, window_bounds = array<i64: 1, 1024, 768>}, {transform_indices = @transform_4, window_bounds = array<i64: 1, 1024, 1>}]} {
    %get3A = arith.index_cast %arg0 : i32 to index
    %get3A_0 = arith.constant 0 : index
    %get3A_1 = memref.load %arg4[%get3A, %get3A_0] : memref<4x16xi32, #tpu.memory_space<smem>>
    %get3A_2 = arith.constant 0 : index
    %get3A_3 = arith.constant 0 : index
    %get3A_4 = arith.constant 0 : index
    %get3A_5 = vector.load %arg3[%get3A_2, %get3A_3, %get3A_4] : memref<1x1024x1xf32, #tpu.memory_space<vmem>>, vector<1x1024x1xf32>
    %get3A_6 = vector.shape_cast %get3A_5 : vector<1x1024x1xf32> to vector<1024x1xf32>
    %bitcast_convert_type3A = tpu.bitcast %get3A_6 : vector<1024x1xf32> -> vector<1024x1xi32>
    %ge3A = arith.constant 0 : i32
    %ge3A_7 = vector.broadcast %ge3A : i32 to vector<1024x1xi32>
    %ge3A_8 = arith.cmpi sge, %bitcast_convert_type3A, %ge3A_7 : vector<1024x1xi32>
    %not3A = arith.constant dense<-1> : vector<1024x1xi32>
    %not3A_9 = arith.xori %bitcast_convert_type3A, %not3A : vector<1024x1xi32>
    %xor3A = arith.constant -2147483648 : i32
    %xor3A_10 = vector.broadcast %xor3A : i32 to vector<1024x1xi32>
    %xor3A_11 = arith.xori %not3A_9, %xor3A_10 : vector<1024x1xi32>
    %select_n3A = arith.select %ge3A_8, %bitcast_convert_type3A, %xor3A_11 : vector<1024x1xi1>, vector<1024x1xi32>
    %ge3A_12 = vector.broadcast %get3A_1 : i32 to vector<1024x1xi32>
    %ge3A_13 = arith.cmpi sge, %select_n3A, %ge3A_12 : vector<1024x1xi32>
    %swap3A = arith.constant 0 : index
    %swap3A_14 = arith.constant 0 : index
    %swap3A_15 = arith.constant 0 : index
    %swap3A_16 = vector.load %arg6[%swap3A, %swap3A_14, %swap3A_15] : memref<1x1024x1xi32, #tpu.memory_space<vmem>>, vector<1x1024x1xi32>
    %swap3A_17 = arith.extui %ge3A_13 : vector<1024x1xi1> to vector<1024x1xi32>
    %swap3A_18 = vector.shape_cast %swap3A_16 : vector<1x1024x1xi32> to vector<1024x1xi32>
    %swap3A_19 = vector.shape_cast %swap3A_17 : vector<1024x1xi32> to vector<1x1024x1xi32>
    %swap3A_20 = arith.constant dense<0> : vector<1024x1xi32>
    %swap3A_21 = arith.cmpi ne, %swap3A_18, %swap3A_20 : vector<1024x1xi32>
    tpu.vector_store %arg6[%swap3A, %swap3A_14, %swap3A_15], %swap3A_19 {strides = array<i32>} : memref<1x1024x1xi32, #tpu.memory_space<vmem>>, vector<1x1024x1xi32>,
    %get3A_22 = arith.constant 0 : index
    %get3A_23 = arith.constant 0 : index
    %get3A_24 = arith.constant 0 : index
    %get3A_25 = vector.load %arg2[%get3A_22, %get3A_23, %get3A_24] : memref<1x1024x768xf32, #tpu.memory_space<vmem>>, vector<1x1024x768xf32>
    %get3A_26 = vector.shape_cast %get3A_25 : vector<1x1024x768xf32> to vector<1024x768xf32>
    %convert_element_type3A = arith.extui %ge3A_13 : vector<1024x1xi1> to vector<1024x1xi32>
    %convert_element_type3A_27 = arith.sitofp %convert_element_type3A : vector<1024x1xi32> to vector<1024x1xf32>
    %mul3A = vector.broadcast %convert_element_type3A_27 : vector<1024x1xf32> to vector<1024x768xf32>
    %mul3A_28 = arith.mulf %get3A_26, %mul3A : vector<1024x768xf32>
    %swap3A_29 = arith.constant 0 : index
    %swap3A_30 = arith.constant 0 : index
    %swap3A_31 = arith.constant 0 : index
    %swap3A_32 = vector.load %arg5[%swap3A_29, %swap3A_30, %swap3A_31] : memref<1x1024x768xf32, #tpu.memory_space<vmem>>, vector<1x1024x768xf32>
    %swap3A_33 = vector.shape_cast %swap3A_32 : vector<1x1024x768xf32> to vector<1024x768xf32>
    %swap3A_34 = vector.shape_cast %mul3A_28 : vector<1024x768xf32> to vector<1x1024x768xf32>
    tpu.vector_store %arg5[%swap3A_29, %swap3A_30, %swap3A_31], %swap3A_34 {strides = array<i32>} : memref<1x1024x768xf32, #tpu.memory_space<vmem>>, vector<1x1024x768xf32>,
    return
  }
  func.func @transform_0(%arg0: i32, %arg1: i32) -> (i32, i32, i32) {
    %c0_i32 = arith.constant 0 : i32
    %c0_i32_0 = arith.constant 0 : i32
    return %arg0, %arg1, %c0_i32 : i32, i32, i32
  }
  func.func @transform_1(%arg0: i32, %arg1: i32) -> (i32, i32, i32) {
    %c0_i32 = arith.constant 0 : i32
    %c0_i32_0 = arith.constant 0 : i32
    return %arg0, %arg1, %c0_i32 : i32, i32, i32
  }
  func.func @transform_2(%arg0: i32, %arg1: i32) -> (i32, i32) {
    %c0_i32 = arith.constant 0 : i32
    %c0_i32_0 = arith.constant 0 : i32
    %c0_i32_1 = arith.constant 0 : i32
    return %c0_i32, %c0_i32_0 : i32, i32
  }
  func.func @transform_3(%arg0: i32, %arg1: i32) -> (i32, i32, i32) {
    %c0_i32 = arith.constant 0 : i32
    %c0_i32_0 = arith.constant 0 : i32
    return %arg0, %arg1, %c0_i32 : i32, i32, i32
  }
  func.func @transform_4(%arg0: i32, %arg1: i32) -> (i32, i32, i32) {
    %c0_i32 = arith.constant 0 : i32
    %c0_i32_0 = arith.constant 0 : i32
    return %arg0, %arg1, %c0_i32 : i32, i32, i32
  }
}

module attributes {stable_mosaic.version = 14 : i64} {
  func.func @_scores_kernel(%arg0: i32, %arg1: i32, %arg2: memref<1x1024x768xf32, #tpu.memory_space<vmem>>, %arg3: memref<768x128xbf16, #tpu.memory_space<vmem>>, %arg4: memref<1x1xf32, #tpu.memory_space<vmem>>, %arg5: memref<1x1024x1xf32, #tpu.memory_space<vmem>>, %arg6: memref<1x8x128xf32, #tpu.memory_space<vmem>>) attributes {dimension_semantics = [#tpu.dimension_semantics<arbitrary>, #tpu.dimension_semantics<arbitrary>], iteration_bounds = array<i64: 4, 8>, scalar_prefetch = 0 : i64, scratch_operands = 0 : i64, tpu.core_type = #tpu.core_type<tc>, window_params = [{transform_indices = @transform_0, window_bounds = array<i64: 1, 1024, 768>}, {pipeline_mode = #tpu.pipeline_mode<synchronous>, transform_indices = @transform_1, window_bounds = array<i64: 768, 128>}, {pipeline_mode = #tpu.pipeline_mode<synchronous>, transform_indices = @transform_2, window_bounds = array<i64: 1, 1>}, {transform_indices = @transform_3, window_bounds = array<i64: 1, 1024, 1>}, {transform_indices = @transform_4, window_bounds = array<i64: 1, 8, 128>}]} {
    %get3A = arith.constant 0 : index
    %get3A_0 = arith.constant 0 : index
    %get3A_1 = arith.constant 0 : index
    %get3A_2 = vector.load %arg2[%get3A, %get3A_0, %get3A_1] : memref<1x1024x768xf32, #tpu.memory_space<vmem>>, vector<1x1024x768xf32>
    %get3A_3 = vector.shape_cast %get3A_2 : vector<1x1024x768xf32> to vector<1024x768xf32>
    %convert_element_type3A = arith.truncf %get3A_3 : vector<1024x768xf32> to vector<1024x768xbf16>
    %get3A_4 = arith.constant 0 : index
    %get3A_5 = arith.constant 0 : index
    %get3A_6 = vector.load %arg3[%get3A_4, %get3A_5] : memref<768x128xbf16, #tpu.memory_space<vmem>>, vector<768x128xbf16>
    %dot_general3A = arith.constant dense<0.000000e+00> : vector<1024x128xf32>
    %dot_general3A_7 = tpu.matmul %convert_element_type3A, %get3A_6, %dot_general3A {dimension_numbers = #tpu.dot_dimension_numbers<[1], [0], [0], [1], [0, 0, 1, 1], [], []>, transpose_lhs_hint = false} : vector<1024x768xbf16>, vector<768x128xbf16>, vector<1024x128xf32> -> vector<1024x128xf32>
    %slice3A = vector.extract_strided_slice %dot_general3A_7 {offsets = [0, 0], sizes = [1024, 1], strides = [1, 1]} : vector<1024x128xf32> to vector<1024x1xf32>
    %get3A_8 = arith.constant 0 : index
    %get3A_9 = arith.constant 0 : index
    %get3A_10 = vector.load %arg4[%get3A_8, %get3A_9] : memref<1x1xf32, #tpu.memory_space<vmem>>, vector<1x1xf32>
    %get3A_11 = vector.extract %get3A_10[0, 0] : f32 from vector<1x1xf32>
    %add3A = vector.broadcast %get3A_11 : f32 to vector<1024x1xf32>
    %add3A_12 = arith.addf %slice3A, %add3A : vector<1024x1xf32>
    %swap3A = arith.constant 0 : index
    %swap3A_13 = arith.constant 0 : index
    %swap3A_14 = arith.constant 0 : index
    %swap3A_15 = vector.load %arg5[%swap3A, %swap3A_13, %swap3A_14] : memref<1x1024x1xf32, #tpu.memory_space<vmem>>, vector<1x1024x1xf32>
    %swap3A_16 = vector.shape_cast %swap3A_15 : vector<1x1024x1xf32> to vector<1024x1xf32>
    %swap3A_17 = vector.shape_cast %add3A_12 : vector<1024x1xf32> to vector<1x1024x1xf32>
    tpu.vector_store %arg5[%swap3A, %swap3A_13, %swap3A_14], %swap3A_17 {strides = array<i32>} : memref<1x1024x1xf32, #tpu.memory_space<vmem>>, vector<1x1024x1xf32>,
    %reshape3A = vector.shape_cast %add3A_12 : vector<1024x1xf32> to vector<8x128xf32>
    %swap3A_18 = arith.constant 0 : index
    %swap3A_19 = arith.constant 0 : index
    %swap3A_20 = arith.constant 0 : index
    %swap3A_21 = vector.load %arg6[%swap3A_18, %swap3A_19, %swap3A_20] : memref<1x8x128xf32, #tpu.memory_space<vmem>>, vector<1x8x128xf32>
    %swap3A_22 = vector.shape_cast %swap3A_21 : vector<1x8x128xf32> to vector<8x128xf32>
    %swap3A_23 = vector.shape_cast %reshape3A : vector<8x128xf32> to vector<1x8x128xf32>
    tpu.vector_store %arg6[%swap3A_18, %swap3A_19, %swap3A_20], %swap3A_23 {strides = array<i32>} : memref<1x8x128xf32, #tpu.memory_space<vmem>>, vector<1x8x128xf32>,
    return
  }
  func.func @transform_0(%arg0: i32, %arg1: i32) -> (i32, i32, i32) {
    %c0_i32 = arith.constant 0 : i32
    %c0_i32_0 = arith.constant 0 : i32
    return %arg0, %arg1, %c0_i32 : i32, i32, i32
  }
  func.func @transform_1(%arg0: i32, %arg1: i32) -> (i32, i32) {
    %c0_i32 = arith.constant 0 : i32
    %c0_i32_0 = arith.constant 0 : i32
    %c0_i32_1 = arith.constant 0 : i32
    return %c0_i32, %c0_i32_0 : i32, i32
  }
  func.func @transform_2(%arg0: i32, %arg1: i32) -> (i32, i32) {
    %c0_i32 = arith.constant 0 : i32
    %c0_i32_0 = arith.constant 0 : i32
    %c0_i32_1 = arith.constant 0 : i32
    return %c0_i32, %c0_i32_0 : i32, i32
  }
  func.func @transform_3(%arg0: i32, %arg1: i32) -> (i32, i32, i32) {
    %c0_i32 = arith.constant 0 : i32
    %c0_i32_0 = arith.constant 0 : i32
    return %arg0, %arg1, %c0_i32 : i32, i32, i32
  }
  func.func @transform_4(%arg0: i32, %arg1: i32) -> (i32, i32, i32) {
    %c0_i32 = arith.constant 0 : i32
    %c0_i32_0 = arith.constant 0 : i32
    return %arg0, %arg1, %c0_i32 : i32, i32, i32
  }
}

</mosaic_0001>

<sc_bundles>
// kernel: kernel.5.cloned.1.call-start
scs
__scs_entry_jumppad:
0x0: {  	(pc) =	sbr.rel $0x88, $3  }
0x1: {  	(tag) =	ssettag $0x0;
	lr =	simm.s32 $0x1  }
0x2: {  	[smem:$0x3F9E] =	sst lr;
	_ =	strace $0xD0000000  }
0x3: {  	_ = 	snop  }
0x4: {  	_ = 	snop  }
0x5: {  	_ = 	snop  }
0x6: {  	_ = 	snop  }
0x7: {  	_ = 	snop  }
__scs_overlays_trampoline_lowered:
0x8: {  	[smem:$0x3FAD] =	sst s0  }
0x9: {  	[smem:$0x3FAE] =	sst s1  }
0xa: {  	[smem:$0x3FAF] =	sst s2  }
0xb: {  	[smem:$0x3FB0] =	sst s3  }
0xc: {  	[smem:$0x3FB1] =	sst s4  }
0xd: {  	[smem:$0x3FB2] =	sst s5  }
0xe: {  	[smem:$0x3FB3] =	sst s6  }
0xf: {  	[smem:$0x3FB4] =	sst s7  }
0x10: {  	[smem:$0x3FB5] =	sst s8  }
0x11: {  	[smem:$0x3FB6] =	sst s9;
	s0 =	simm.s32 @!p0 $0x0  }
0x12: {  	s1 =	sld [smem:$0x3F9C];
	s0 =	simm.s32 @p0 $0x1  }
0x13: {  	[smem:$0x3FB7] =	sst s0;
	s0 =	simm.s32 @!p1 $0x0  }
0x14: {  	s2 =	sld [smem:$0x3F9B];
	s0 =	simm.s32 @p1 $0x1  }
0x15: {  	[smem:$0x3FB8] =	sst s0;
	s0 =	simm.s32 @!p2 $0x0  }
0x16: {  	s3 =	sld [smem:$0x3FDB];
	s0 =	simm.s32 @p2 $0x1  }
0x17: {  	s4 =	simm.s32 $0x1BF5;
	[smem:$0x3FBA] =	sst s0  }
0x18: {  	s0 =	sld [smem:$0x3F9D];
	_ =	swait.ge [sflag:s4], $0x0  }
0x19: {  	s7 =	sld [smem:$0x3F9E]  }
0x1a: {  	s8 =	sadd.s32 $0xFFFFE003, lr  }
0x1b: {  	s9 =	sadd.s32 $0xFFFFFEF7, lr;
	s5 =	simm.s32 $0xFFFFFFFF;
	p2 =	slt.u32 s8, $0xFFFFF086  }
0x1c: {  	p1 =	slt.u32 s9, $0xF7A;
	s5 =	simm.s32 @!p2 $0x0  }
0x1d: {  	s5 =	simm.s32 @p1 $0x1;
	p0 =	seq.s32 s7, s2  }
0x1e: {  	s7 =	smul.u32 @!p0 $0xF7A, s2;
	p2 =	seq.s32 @!p0 s5, $0x0  }
0x1f: {  	s9 =	smul.u32 $0xF7A, s1;
	s8 =	simm.s32 @!p0 $0x1BF5;
	p2 =	por !p2, p0  }
0x20: {  	[sflag:s8] =	ssyncset.s32 @!p0 $0xFFFFF086;
	s6 =	sadd.s32 @!p0 s3, s7;
	s7 =	simm.s32 @!p0 $0x108  }
0x21: {  	s3 =	sadd.s32 s3, s9;
	s6 =	sadd.s32 @!p0 $0x88, s6;
	s7 =	simm.s32 @p2 $0x1082  }
0x22: {  	[simem:s7], [sflag:s8] =	dma.local @!p0 [hbm:s6], $0xF7A  }
0x23: {  	s9 =	sor.u32 $0xD0000000, s2;
	s6 =	simm.s32 $0x108;
	_ =	swait.ge @!p0 [sflag:s8], $0x0  }
0x24: {  	s3 =	sadd.s32 $0x88, s3;
	s6 =	simm.s32 @!p1 $0x1082;
	[sflag:s4] =	ssyncset.s32 $0xFFFFF086  }
0x25: {  	[simem:s6], [sflag:s4] =	dma.local [hbm:s3], $0xF7A  }
0x26: {  	[smem:$0x3F9E] =	sst s1;
	(tag) =	ssettag s2;
	_ =	strace s9  }
0x27: {  	s1 =	sld [smem:$0x3FAE]  }
0x28: {  	s2 =	sld [smem:$0x3FAF]  }
0x29: {  	s4 =	sld [smem:$0x3FB1]  }
0x2a: {  	p0 =	seq.s32 s5, $0x0;
	s5 =	sld [smem:$0x3FB2]  }
0x2b: {  	s6 =	sld [smem:$0x3FB3]  }
0x2c: {  	s7 =	sld [smem:$0x3FB4]  }
0x2d: {  	s3 =	simm.s32 $0x108;
	s8 =	sld [smem:$0x3FB5]  }
0x2e: {  	s3 =	simm.s32 @!p0 $0x1082;
	s9 =	sld [smem:$0x3FB6]  }
0x2f: {  	lr =	sadd.s32 s0, s3;
	s0 =	sld [smem:$0x3FAD]  }
0x30: {  	s3 =	sld [smem:$0x3FB0]  }
0x31: {  	[smem:$0x3FB9] =	sst s10  }
0x32: {  	s10 =	sld [smem:$0x3FB7];
	_ =	sdelay $0x3  }
0x33: {  	p0 =	seq.s32 s10, $0x1;
	s10 =	sld [smem:$0x3FB9];
	_ =	sdelay $0x3  }
0x34: {  	[smem:$0x3FB9] =	sst s10  }
0x35: {  	s10 =	sld [smem:$0x3FB8];
	_ =	sdelay $0x3  }
0x36: {  	p1 =	seq.s32 s10, $0x1;
	s10 =	sld [smem:$0x3FB9];
	_ =	sdelay $0x3  }
0x37: {  	[smem:$0x3FB9] =	sst s10  }
0x38: {  	s10 =	sld [smem:$0x3FBA]  }
0x39: {  	_ = 	snop;
	(pc) =	sbr.ind lr, $3  }
0x3a: {  	_ = 	snop  }
0x3b: {  	_ = 	snop  }
0x3c: {  	p2 =	seq.s32 s10, $0x1;
	s10 =	sld [smem:$0x3FB9]  }
0x3d: {  	_ =	shalt  }
0x3e: {  	_ =	shalt  }
0x3f: {  	_ =	shalt  }
0x40: {  	_ =	shalt  }
0x41: {  	_ =	shalt  }
0x42: {  	_ =	shalt  }
0x43: {  	_ =	shalt  }
0x44: {  	_ =	shalt  }
0x45: {  	_ =	shalt  }
0x46: {  	_ =	shalt  }
0x47: {  	_ =	shalt  }
0x48: {  	_ =	shalt  }
0x49: {  	_ =	shalt  }
0x4a: {  	_ =	shalt  }
0x4b: {  	_ =	shalt  }
0x4c: {  	_ =	shalt  }
0x4d: {  	_ =	shalt  }
0x4e: {  	_ =	shalt  }
0x4f: {  	_ =	shalt  }
0x50: {  	_ =	shalt  }
0x51: {  	_ =	shalt  }
0x52: {  	_ =	shalt  }
0x53: {  	_ =	shalt  }
0x54: {  	_ =	shalt  }
0x55: {  	_ =	shalt  }
0x56: {  	_ =	shalt  }
0x57: {  	_ =	shalt  }
0x58: {  	_ =	shalt  }
0x59: {  	_ =	shalt  }
0x5a: {  	_ =	shalt  }
0x5b: {  	_ =	shalt  }
0x5c: {  	_ =	shalt  }
0x5d: {  	_ =	shalt  }
0x5e: {  	_ =	shalt  }
0x5f: {  	_ =	shalt  }
0x60: {  	_ =	shalt  }
0x61: {  	_ =	shalt  }
0x62: {  	_ =	shalt  }
0x63: {  	_ =	shalt  }
0x64: {  	_ =	shalt  }
0x65: {  	_ =	shalt  }
0x66: {  	_ =	shalt  }
0x67: {  	_ =	shalt  }
0x68: {  	_ =	shalt  }
0x69: {  	_ =	shalt  }
0x6a: {  	_ =	shalt  }
0x6b: {  	_ =	shalt  }
0x6c: {  	_ =	shalt  }
0x6d: {  	_ =	shalt  }
0x6e: {  	_ =	shalt  }
0x6f: {  	_ =	shalt  }
0x70: {  	_ =	shalt  }
0x71: {  	_ =	shalt  }
0x72: {  	_ =	shalt  }
0x73: {  	_ =	shalt  }
0x74: {  	_ =	shalt  }
0x75: {  	_ =	shalt  }
0x76: {  	_ =	shalt  }
0x77: {  	_ =	shalt  }
0x78: {  	_ =	shalt  }
0x79: {  	_ =	shalt  }
0x7a: {  	_ =	shalt  }
0x7b: {  	_ =	shalt  }
0x7c: {  	_ =	shalt  }
0x7d: {  	_ =	shalt  }
0x7e: {  	_ =	shalt  }
0x7f: {  	_ =	shalt  }
0x80: {  	_ =	shalt  }
0x81: {  	_ =	shalt  }
0x82: {  	_ =	shalt  }
0x83: {  	_ =	shalt  }
0x84: {  	_ =	shalt  }
0x85: {  	_ =	shalt  }
0x86: {  	_ =	shalt  }
0x87: {  	_ =	shalt  }
.Lfunc_end0:
.L_simem_size_0:
called_computation_lowered:
.L_overlay_start_0:
0x88: {  	s2 =	sld [smem:$0x3FD9]  }
0x89: {  	s3 =	sld [smem:$0x3FFE];
	_ =	sdelay $0x1  }
0x8a: {  	s1 =	srdreg.scid  }
0x8b: {  	s0 =	sand.u32 $0x1, s1  }
0x8c: {  	s15 =	sshll.u32 s0, $0xA;
	s2 =	sadd.s32 s3, s2  }
0x8d: {  	s2 =	sadd.s32 s2, s15  }
0x8e: {  	[smem:$0x3FC5] =	sst s2  }
0x8f: {  	_ = 	snop  }
0x90: {  	s2 =	sld [smem:$0x3FD0];
	_ =	sdelay $0x2  }
0x91: {  	s16 =	simm.s32 $0xA;
	s4 =	simm.s32 $0x10  }
0x92: {  	[smem:s4], [sflag:s16] =	dma.local [hbm:s2], $0x1  }
0x93: {  	_ =	swait.eq [sflag:s16], $0x1  }
0x94: {  	[sflag:s16] =	ssyncset.done $0x0  }
0x95: {  	s17 =	sld [smem:$0x11];
	[sflag:s16] =	ssyncadd.s32 $0xFFFFFFFF  }
0x96: {  	s18 =	sld [smem:$0x12];
	(tm) =	ssettm $0x1  }
0x97: {  	s19 =	sld [smem:$0x3FFB];
	_ =	sdelay $0x3  }
0x98: {  	_ =	strace s19  }
0x99: {  	s4 =	sld [smem:$0x3FFC];
	_ =	sdelay $0x3  }
0x9a: {  	_ =	strace s4  }
0x9b: {  	s4 =	sld [smem:$0x3FFD];
	_ =	sdelay $0x3  }
0x9c: {  	_ =	strace s4  }
0x9d: {  	_ =	strace $0x8FFFFFFF  }
0x9e: {  	s20 =	sld [smem:$0x3FDB];
	_ =	sdelay $0x1  }
0x9f: {  	s5 =	simm.s32 $_scs_section_size  }
0xa0: {  	s6 =	simm.s32 $_size__tile_overlayer_lowered;
	s7 =	simm.s32 $_tile_overlayer_lowered  }
0xa1: {  	s23 =	simm.s32 $0x1BFF;
	s22 =	sshll.u32 s7, $0x1;
	s4 =	sadd.s32 s5, s20  }
0xa2: {  	s8 =	simm.s32 $0x0;
	s21 =	sshll.u32 s6, $0x1;
	s6 =	sadd.s32 s22, s4  }
0xa3: {  	[timem:s8], [sflag:s23] =	dma.local [hbm:s6], s21  }
0xa4: {  	_ =	swait.ge [sflag:s23], s21  }
0xa5: {  	s5 =	ssub.s32 $0x0, s21;
	[sflag:s23] =	ssyncset.done $0x0  }
0xa6: {  	[sflag:s23] =	ssyncadd.s32 s5;
	_ =	sdelay $0x1  }
0xa7: {  	s24 =	simm.s32 $0x1B8B  }
0xa8: {  	_ =	swait.ge [sflag:s24], $0x1  }
0xa9: {  	[sflag:s24] =	ssyncset.done $0x0  }
0xaa: {  	s25 =	simm.s32 $0x1B8E;
	[sflag:s24] =	ssyncadd.s32 $0xFFFFFFFF  }
0xab: {  	s26 =	simm.s32 $execute0_lowered;
	[smem:$0x3FD2] =	sst s25  }
0xac: {  	s5 =	sshll.u32 s26, $0x1;
	_ =	strace $0x80000046;
	[dreg:$0x1] =	wrdreg $0xFFFFFFFF  }
0xad: {  	s28 =	simm.s32 $_size_execute0_lowered;
	s4 =	sadd.s32 s4, s5;
	[dreg:$0x0] =	wrdreg $0x0  }
0xae: {  	s5 =	sshll.u32 s28, $0x1;
	[dreg:$0x2] =	wrdreg s4  }
0xaf: {  	[dreg:$0x3] =	wrdreg s5  }
0xb0: {  	[dreg:$0x4] =	wrdreg $0xC0  }
0xb1: {  	_ =	task [dreg:s8], $0x5FFFF  }
0xb2: {  	[dreg:$0x1] =	wrdreg $0xFFFFFFFF  }
0xb3: {  	[dreg:$0x0] =	wrdreg $0x60  }
0xb4: {  	[dreg:$0x2] =	wrdreg s18  }
0xb5: {  	[dreg:$0x3] =	wrdreg s17  }
0xb6: {  	[dreg:$0x4] =	wrdreg $0x9  }
0xb7: {  	_ =	task.clear_ibuf [dreg:s8], $0x5FFFF;
	_ =	strace $0x90000046  }
0xb8: {  	s29 =	simm.s32 $0x9;
	_ =	strace $0x80000048  }
0xb9: {  	_ =	swait.ge [sflag:s29], $0x1  }
0xba: {  	[sflag:s29] =	ssyncadd.s32 $0xFFFFFFFF  }
0xbb: {  	_ =	strace $0x90000048  }
0xbc: {  	_ =	sfence  }
0xbd: {  	s30 =	sld [smem:$0x0];
	_ =	sdelay $0x2  }
0xbe: {  	s31 =	sshll.u32 s1, $0xD;
	s1 =	sshrl.u32 s1, $0x2  }
0xbf: {  	s3 =	sand.u32 $0x4000, s31;
	s1 =	sadd.s32 s1, s30  }
0xc0: {  	s0 =	sor.u32 s3, s0;
	s1 =	sshll.u32 s1, $0x11  }
0xc1: {  	s0 =	sor.u32 s1, s0  }
0xc2: {  	s0 =	sadd.s32 $0x8F2B, s0  }
0xc3: {  	[sflag:s0] =	ssyncadd.remote.s32 $0x1  }
0xc4: {  	_ =	sfence.sel $0xFFFF  }
0xc5: {  	[dreg:$0x0] =	wrdreg $0xFFFFFFFF;
	(pc) =	sbr.abs _section_cstart, $3  }
0xc6: {  	[dreg:$0x1] =	wrdreg $0xFFFFFFFF  }
0xc7: {  	_ =	task.clear_ibuf [dreg:s8], $0x2FFFF;
	_ =	strace $0x9FFFFFFF  }
0xc8: {  	(tm) =	ssettm $0x7FFFFFFF  }
0xc9: {  	_ =	shalt  }
tec
execute0_lowered:
.L_overlay_start_1:
0x0: {  	(tag) =	ssettag $0x1  }
0x1: {  	s1 =	stileid.u32  }
0x2: {  	p0 =	sgt.u32 s1, $0x1  }
.Ltmp0:
0x3: {  	_ = 	snop;
	(pc) =	sbr.rel @p0 .LBB2_9-.Ltmp0, $4  }
0x4: {  	s4 =	rddreg [dreg:$0x0]  }
0x5: {  	s3 =	rddreg [dreg:$0x1];
	s2 =	simm.s32 $0x0  }
0x6: {  	[smem:$0x7FF] =	sst s2  }
0x7: {  	s0 =	rddreg [dreg:$0x2];
	_ =	strace $0x80000047  }
0x8: {  	s5 =	srdreg.scid;
	s7 =	sshll.u32 s1, $0x5  }
0x9: {  	s9 =	simm.s32 $0x80000000;
	s10 =	simm.s32 $0x4000;
	s5 =	sand.u32 $0x1, s5  }
0xa: {  	s11 =	simm.s32 $0x0;
	s6 =	ssub.s32 $0x2, s5;
	s5 =	sshll.u32 s5, $0x4  }
0xb: {  	s8 =	sshrl.u32 s6, $0x1;
	s5 =	sor.u32 s5, s7;
	s7 =	simm.s32 $0x200  }
0xc: {  	s6 =	ssub.s32 s6, s8;
	s3 =	sadd.s32 s3, s5;
	s4 =	sadd.s32 s4, s5  }
0xd: {  	v0 =	vimm.s32 $0x0;
	s8 =	simm.s32 $0x1;
	s5 =	smax.u32 s6, $0x1;
	s6 =	simm.s32 $0x80  }
.LBB2_2:
0xe: {  	s12 =	simm.s32 $0x0  }
0xf: {  	[tilespmem:s12], [sflag:$0x1] =	stream.strided.gather [hbm4b:s4+s6], $0x2000, s7, s6, $0x38;
	[tilespmem:$0x4080] =	vst v63  }
0x10: {  	_ =	swait.ge [sflag:s8], $0x2000  }
0x11: {  	[sflag:s8] =	ssyncset.done $0x0  }
0x12: {  	s13 =	simm.s32 $0x0;
	[sflag:s8] =	ssyncadd.s32 $0xFFFFE000  }
0x13: {  	v1 =	vld [tilespmem:s13+$0x0]  }
0x14: {  	s14 =	simm.s32 $0x40  }
.LBB2_3:
0x15: {  	p0 =	sne.s32 s14, $0x7FC0  }
.Ltmp1:
0x16: {  	_ = 	snop;
	(pc) =	sbr.rel @p0 .LBB2_3-.Ltmp1, $4  }
0x17: {  	_ = 	snop  }
0x18: {  	s15 =	sshra.s32 s14, $0x2;
	s14 =	sadd.s32 $0x40, s14;
	v2 =	vxor.u32 $0x7FFFFFFF, v1;
	vm0 =	vlt.s32 v1, $0x0  }
0x19: {  	v2 =	vsel vm0, v2, v1;
	v1 =	vld [tilespmem:s15+$0x0]  }
0x1a: {  	[tilespmem:s13+$0x2000] =	vst v2;
	s13 =	smov.u32 s15  }
0x1b: {  	_ =	sdelay $0x2  }
0x1c: {  	v2 =	vxor.u32 $0x7FFFFFFF, v1;
	vm0 =	vlt.s32 v1, $0x0  }
0x1d: {  	v1 =	vsel vm0, v2, v1  }
0x1e: {  	[tilespmem:s13+$0x2000] =	vst v1;
	s13 =	simm.s32 $0x0  }
.LBB2_5:
0x1f: {  	s14 =	sshrl.u32 s9, s13  }
0x20: {  	s16 =	simm.s32 $0x0;
	s14 =	sor.u32 s14, s12  }
0x21: {  	v3 =	vld [tilespmem:s16+$0x2000];
	s15 =	sxor.u32 $0x80000000, s14  }
0x22: {  	v1 =	vimm.s32 $0x0;
	v2 =	vmov s15;
	s15 =	simm.s32 $0x40  }
.LBB2_6:
0x23: {  	p0 =	sne.s32 s15, $0x7FC0  }
.Ltmp2:
0x24: {  	_ = 	snop;
	(pc) =	sbr.rel @p0 .LBB2_6-.Ltmp2, $4  }
0x25: {  	_ = 	snop  }
0x26: {  	s16 =	sshra.s32 s15, $0x2;
	s15 =	sadd.s32 $0x40, s15;
	vm0 =	vge.s32 v3, v2  }
0x27: {  	v3 =	vld [tilespmem:s16+$0x2000];
	v4 =	vsel vm0, $0x1, v0  }
0x28: {  	v1 =	vadd.s32 v4, v1  }
0x29: {  	_ =	sdelay $0x2  }
0x2a: {  	vm0 =	vge.s32 v3, v2  }
0x2b: {  	v2 =	vsel vm0, $0x1, v0  }
0x2c: {  	v1 =	vadd.s32 v2, v1  }
0x2d: {  	(xrf0) =	vadd.scan.msk.s32 $0xffff, v1;
	_ =	sdelay $0x5  }
0x2e: {  	v1, _, _ =	vpop (xrf0)  }
0x2f: {  	(v2sf) =	vpush v1, $0xF;
	_ =	sdelay $0xa  }
0x30: {  	s13 =	sadd.s32 $0x1, s13  }
0x31: {  	p1 =	sne.s32 s13, $0x20  }
.Ltmp3:
0x32: {  	_ = 	snop;
	(pc) =	sbr.rel @p1 .LBB2_5-.Ltmp3, $4  }
0x33: {  	_ = 	snop  }
0x34: {  	s15 =	spop (v2sf)  }
0x35: {  	p0 =	sgt.s32 s15, $0xFFF  }
0x36: {  	s12 =	smov.u32 @p0 s14  }
0x37: {  	s12 =	sxor.u32 $0x80000000, s12;
	s11 =	sadd.s32 $0x1, s11  }
0x38: {  	v1 =	vmov s12;
	p0 =	sne.s32 s11, s5  }
.Ltmp4:
0x39: {  	[tilespmem:$0x4000] =	vst v1;
	(pc) =	sbr.rel @p0 .LBB2_2-.Ltmp4, $4  }
0x3a: {  	[hbm4b:s3+s2] =	stream.linear.scatter [tilespmem:s10], [sflag:$0x1], $0x80, $0x38;
	[tilespmem:$0x4080] =	vst v63  }
0x3b: {  	_ =	swait.ge [sflag:s8], $0x80  }
0x3c: {  	[sflag:s8] =	ssyncset.done $0x0  }
0x3d: {  	[sflag:s8] =	ssyncadd.s32 $0xFFFFFF80  }
.LBB2_9:
0x3e: {  	_ =	sfence.sel $0x180000  }
0x3f: {  	[bflag:$0x0] =	sbarrier.arrive $0xFFFF  }
0x40: {  	p0 =	sne.s32 s1, $0x0;
	_ =	strace $0x90000047  }
0x41: {  	s0 =	sadd.s32 @!p0 $0x100000, s0;
	[bflag:$0x2] =	sbarrier.arrive $0xFFFF  }
0x42: {  	[sflag:s0] =	ssyncadd.tile.s32 @!p0 $0x1;
	_ =	shalt  }
.Lfunc_end2:
_tile_overlayer_lowered:
.L_overlay_start_2:
0x43: {  	(tag) =	ssettag $0x2  }
0x44: {  	s0 =	rddreg [dreg:$0x0];
	s2 =	stileid.u32  }
0x45: {  	s1 =	rddreg [dreg:$0x1];
	p0 =	sne.s32 s2, $0x0  }
0x46: {  	s3 =	rddreg [dreg:$0x2];
	[bflag:$0x3] =	sbarrier.arrive $0xFFFF;
	s2 =	simm.s32 @!p0 $0x1C01  }
0x47: {  	[timem:s3], [sflag:s2] =	dma.local @!p0 [hbm:s0], s1  }
0x48: {  	s0 =	simm.s32 @!p0 $0x1  }
0x49: {  	_ =	swait.ge @!p0 [sflag:s0], s1  }
0x4a: {  	s1 =	ssub.s32 @!p0 $0x0, s1;
	[sflag:s0] =	ssyncset.done @!p0 $0x0  }
0x4b: {  	[sflag:s0] =	ssyncadd.s32 @!p0 s1  }
0x4c: {  	[bflag:$0x3] =	sbarrier.arrive $0xFFFF  }
0x4d: {  	_ =	shalt  }

</sc_bundles>
